<compile_context>
chip_gen: v7x
topology: tpu7x:2x2x1
jax: 0.10.2.dev20260603
libtpu: 0.0.44.dev20260713+nightly
codegen_flags: <defaults>
</compile_context>

<pallas_src>
import jax
import jax.numpy as jnp
from jax.experimental import pallas as pl

NODE_DIM = 256
FINAL_DIM = 1024
MAX_NEIGHBORS = 49
NUM_EDGE_TYPES = 1000
BF = jnp.bfloat16
F32 = jnp.float32


def _dot(a, b):
    return jnp.dot(a, b, preferred_element_type=F32)


def _front_body(qt_ref, ipw1_ref, ipb1_ref, ipw2_ref, skw_ref, preb_ref,
                lng_ref, lnb_ref, cpw1_ref, cpb1_ref, cpw2_ref, cpb2_ref,
                ngw1_ref, ngb1_ref, nnw1_ref, nnb1_ref, nnw2_ref, nnb2_ref,
                epw1t_ref, epb1_ref,
                ne_ref, cf_ref, nn_ref, ngh_ref, cep_ref):
    qt = qt_ref[...]
    avg = (qt[:, 0, :] + qt[:, 1, :] + qt[:, 2, :]) * (1.0 / 3.0)
    avg_b = avg.astype(BF)
    h1 = jnp.maximum(_dot(avg_b, ipw1_ref[...]) + ipb1_ref[...], 0.0)
    proj = _dot(h1.astype(BF), ipw2_ref[...])
    skip = _dot(avg_b, skw_ref[...])
    pre = proj + skip + preb_ref[...]
    mu = jnp.mean(pre, axis=-1, keepdims=True)
    var = jnp.mean((pre - mu) ** 2, axis=-1, keepdims=True)
    ne = (pre - mu) * jax.lax.rsqrt(var + 1e-5) * lng_ref[...] + lnb_ref[...]
    ne_ref[...] = ne
    ne_b = ne.astype(BF)
    ch = jnp.maximum(_dot(ne_b, cpw1_ref[...]) + cpb1_ref[...], 0.0)
    cf = _dot(ch.astype(BF), cpw2_ref[...]) + cpb2_ref[...]
    cf_ref[...] = cf
    ngh = jnp.maximum(_dot(ne_b, ngw1_ref[...]) + ngb1_ref[...], 0.0)
    ngh_ref[...] = ngh.astype(BF)
    nh = jnp.maximum(_dot(ne_b, nnw1_ref[...]) + nnb1_ref[...], 0.0)
    nn_ref[...] = _dot(nh.astype(BF), nnw2_ref[...]) + nnb2_ref[...]
    cep_ref[...] = _dot(cf.astype(BF), epw1t_ref[...]) + epb1_ref[...]


def _neigh_body(ngh_ref, cep_ref, w2_ref, b2_ref, epw1b_ref, nf_ref, eh_ref):
    nf = _dot(ngh_ref[...], w2_ref[...]) + b2_ref[0]
    nf_ref[...] = nf
    eh = jnp.maximum(_dot(nf.astype(BF), epw1b_ref[...]) + cep_ref[...], 0.0)
    eh_ref[...] = eh.astype(BF)


def _edge_body(eh_ref, w_ref, b_ref, out_ref):
    out_ref[...] = _dot(eh_ref[...], w_ref[...]) + b_ref[...]


def kernel(quantized_tokens, quantized_indices, ip_w1, ip_b1, ip_w2, ip_b2,
           skip_w, skip_b, ln_g, ln_b, cp_w1, cp_b1, cp_w2, cp_b2,
           ng_w1, ng_b1, ng_w2, ng_b2, ep_w1, ep_b1, ep_w2, ep_b2,
           nn_w1, nn_b1, nn_w2, nn_b2):
    del quantized_indices
    B = quantized_tokens.shape[0]
    D = NODE_DIM
    N = MAX_NEIGHBORS
    E = NUM_EDGE_TYPES

    row = lambda v: v.reshape(1, -1).astype(F32)
    ipw1 = ip_w1.astype(BF)
    ipw2 = ip_w2.astype(BF)
    skw = skip_w.astype(BF)
    cpw1 = cp_w1.astype(BF)
    cpw2 = cp_w2.astype(BF)
    ngw1 = ng_w1.astype(BF)
    ngw2 = ng_w2.astype(BF)
    epw1t = ep_w1[:D].astype(BF)
    epw1b = ep_w1[D:].astype(BF)
    epw2 = ep_w2.astype(BF)
    nnw1 = nn_w1.astype(BF)
    nnw2 = nn_w2.astype(BF)

    ne, cf, nn_logits, ngh, cep = pl.pallas_call(
        _front_body,
        out_shape=[
            jax.ShapeDtypeStruct((B, D), F32),
            jax.ShapeDtypeStruct((B, D), F32),
            jax.ShapeDtypeStruct((B, N + 1), F32),
            jax.ShapeDtypeStruct((B, 2 * D), BF),
            jax.ShapeDtypeStruct((B, D), F32),
        ],
    )(quantized_tokens, ipw1, row(ip_b1), ipw2, skw, row(ip_b2 + skip_b),
      row(ln_g), row(ln_b), cpw1, row(cp_b1), cpw2, row(cp_b2),
      ngw1, row(ng_b1), nnw1, row(nn_b1), nnw2, row(nn_b2),
      epw1t, row(ep_b1))

    nf_flat, eh_flat = pl.pallas_call(
        _neigh_body,
        grid=(N,),
        in_specs=[
            pl.BlockSpec((B, 2 * D), lambda n: (0, 0)),
            pl.BlockSpec((B, D), lambda n: (0, 0)),
            pl.BlockSpec((2 * D, D), lambda n: (0, n)),
            pl.BlockSpec((1, 1, D), lambda n: (n, 0, 0)),
            pl.BlockSpec((D, D), lambda n: (0, 0)),
        ],
        out_specs=[
            pl.BlockSpec((B, D), lambda n: (0, n)),
            pl.BlockSpec((B, D), lambda n: (0, n)),
        ],
        out_shape=[
            jax.ShapeDtypeStruct((B, N * D), F32),
            jax.ShapeDtypeStruct((B, N * D), BF),
        ],
    )(ngh, cep, ngw2, ng_b2.reshape(N, 1, D).astype(F32), epw1b)

    R = B * N
    RT = R // 16
    etl_flat = pl.pallas_call(
        _edge_body,
        grid=(R // RT,),
        in_specs=[
            pl.BlockSpec((RT, D), lambda i: (i, 0)),
            pl.BlockSpec((D, E), lambda i: (0, 0)),
            pl.BlockSpec((1, E), lambda i: (0, 0)),
        ],
        out_specs=pl.BlockSpec((RT, E), lambda i: (i, 0)),
        out_shape=jax.ShapeDtypeStruct((R, E), F32),
    )(eh_flat.reshape(R, D), epw2, row(ep_b2))

    neighbor_features = nf_flat.reshape(B, N, D)
    edge_type_logits = etl_flat.reshape(B, N, E)
    return (ne, cf, neighbor_features, edge_type_logits, nn_logits)

# --- scband reference (transcript-rebuilt; emitter-appended) ---
"""Pipeline reference for scband-kgdecoder-35742717837523 (READ-ONLY COPY).

The authoritative reference and input builder live on the scoring server;
editing this copy changes nothing except your own understanding.
"""

import jax, jax.numpy as jnp
import numpy as np

NODE_DIM = 256
FINAL_DIM = 1024
MAX_NEIGHBORS = 49
NUM_EDGE_TYPES = 1000
B = 1024
Q = 3


def _w(key, shape):
    return jax.random.normal(key, shape, dtype=jnp.float32) * 0.02


def setup_inputs(seed: int = 0) -> dict:
    key = jax.random.key(seed)
    ks = jax.random.split(key, 16)
    inp = {}
    inp['quantized_tokens'] = jax.random.normal(ks[0], (B, Q, FINAL_DIM), dtype=jnp.float32)
    inp['quantized_indices'] = jax.random.randint(ks[1], (B, Q), 0, 512, dtype=jnp.int64) if jax.config.jax_enable_x64 else jax.random.randint(ks[1], (B, Q), 0, 512, dtype=jnp.int32)
    # input_projection: Linear(FINAL_DIM, 4*NODE_DIM) -> ReLU -> Linear(4*NODE_DIM, NODE_DIM)
    inp['ip_w1'] = _w(ks[2], (FINAL_DIM, 4 * NODE_DIM)); inp['ip_b1'] = jnp.zeros((4 * NODE_DIM,), jnp.float32)
    inp['ip_w2'] = _w(ks[3], (4 * NODE_DIM, NODE_DIM)); inp['ip_b2'] = jnp.zeros((NODE_DIM,), jnp.float32)
    # skip_from_final: Linear(FINAL_DIM, NODE_DIM)
    inp['skip_w'] = _w(ks[4], (FINAL_DIM, NODE_DIM)); inp['skip_b'] = jnp.zeros((NODE_DIM,), jnp.float32)
    # input_norm (LayerNorm)
    inp['ln_g'] = jnp.ones((NODE_DIM,), jnp.float32); inp['ln_b'] = jnp.zeros((NODE_DIM,), jnp.float32)
    # StarGraphStructureDecoder params
    inp['cp_w1'] = _w(ks[5], (NODE_DIM, NODE_DIM)); inp['cp_b1'] = jnp.zeros((NODE_DIM,), jnp.float32)
    inp['cp_w2'] = _w(ks[6], (NODE_DIM, NODE_DIM)); inp['cp_b2'] = jnp.zeros((NODE_DIM,), jnp.float32)
    inp['ng_w1'] = _w(ks[7], (NODE_DIM, NODE_DIM * 2)); inp['ng_b1'] = jnp.zeros((NODE_DIM * 2,), jnp.float32)
    inp['ng_w2'] = _w(ks[8], (NODE_DIM * 2, MAX_NEIGHBORS * NODE_DIM)); inp['ng_b2'] = jnp.zeros((MAX_NEIGHBORS * NODE_DIM,), jnp.float32)
    inp['ep_w1'] = _w(ks[9], (NODE_DIM * 2, NODE_DIM)); inp['ep_b1'] = jnp.zeros((NODE_DIM,), jnp.float32)
    inp['ep_w2'] = _w(ks[10], (NODE_DIM, NUM_EDGE_TYPES)); inp['ep_b2'] = jnp.zeros((NUM_EDGE_TYPES,), jnp.float32)
    inp['nn_w1'] = _w(ks[11], (NODE_DIM, NODE_DIM // 2)); inp['nn_b1'] = jnp.zeros((NODE_DIM // 2,), jnp.float32)
    inp['nn_w2'] = _w(ks[12], (NODE_DIM // 2, MAX_NEIGHBORS + 1)); inp['nn_b2'] = jnp.zeros((MAX_NEIGHBORS + 1,), jnp.float32)
    return inp


def _layer_norm(x, g, b, eps=1e-5):
    mu = jnp.mean(x, axis=-1, keepdims=True)
    var = jnp.mean((x - mu) ** 2, axis=-1, keepdims=True)
    return (x - mu) / jnp.sqrt(var + eps) * g + b


def reference(quantized_tokens, quantized_indices, ip_w1, ip_b1, ip_w2, ip_b2, skip_w, skip_b, ln_g, ln_b, cp_w1, cp_b1, cp_w2, cp_b2, ng_w1, ng_b1, ng_w2, ng_b2, ep_w1, ep_b1, ep_w2, ep_b2, nn_w1, nn_b1, nn_w2, nn_b2):
    batch_size = quantized_tokens.shape[0]
    # average over quantizer dim
    averaged_tokens = jnp.mean(quantized_tokens, axis=1)
    # input_projection
    h = jax.nn.relu(averaged_tokens @ ip_w1 + ip_b1)
    proj_reversed = h @ ip_w2 + ip_b2
    # skip connection
    skip_reversed = averaged_tokens @ skip_w + skip_b
    # layer norm (dropout is identity at inference)
    node_embeddings = _layer_norm(proj_reversed + skip_reversed, ln_g, ln_b)
    central = node_embeddings
    # StarGraphStructureDecoder
    central_features = jax.nn.relu(central @ cp_w1 + cp_b1) @ cp_w2 + cp_b2
    neighbor_flat = jax.nn.relu(central @ ng_w1 + ng_b1) @ ng_w2 + ng_b2
    neighbor_features = neighbor_flat.reshape(batch_size, MAX_NEIGHBORS, NODE_DIM)
    num_neighbors_logits = jax.nn.relu(central @ nn_w1 + nn_b1) @ nn_w2 + nn_b2
    central_expanded = jnp.broadcast_to(central_features[:, None, :], (batch_size, MAX_NEIGHBORS, NODE_DIM))
    edge_input = jnp.concatenate([central_expanded, neighbor_features], axis=-1)
    edge_type_logits = jax.nn.relu(edge_input @ ep_w1 + ep_b1) @ ep_w2 + ep_b2
    return (node_embeddings, central_features, neighbor_features, edge_type_logits, num_neighbors_logits)

if __name__ == "__main__":
    import jax
    _d = setup_inputs()
    print(jax.jit(kernel)(*tuple(_d.values())))

</pallas_src>

<mosaic_0001>
module attributes {stable_mosaic.version = 14 : i64} {
  func.func @_front_body(%arg0: memref<1024x3x1024xf32, #tpu.memory_space<vmem>>, %arg1: memref<1024x1024xbf16, #tpu.memory_space<vmem>>, %arg2: memref<1x1024xf32, #tpu.memory_space<vmem>>, %arg3: memref<1024x256xbf16, #tpu.memory_space<vmem>>, %arg4: memref<1024x256xbf16, #tpu.memory_space<vmem>>, %arg5: memref<1x256xf32, #tpu.memory_space<vmem>>, %arg6: memref<1x256xf32, #tpu.memory_space<vmem>>, %arg7: memref<1x256xf32, #tpu.memory_space<vmem>>, %arg8: memref<256x256xbf16, #tpu.memory_space<vmem>>, %arg9: memref<1x256xf32, #tpu.memory_space<vmem>>, %arg10: memref<256x256xbf16, #tpu.memory_space<vmem>>, %arg11: memref<1x256xf32, #tpu.memory_space<vmem>>, %arg12: memref<256x512xbf16, #tpu.memory_space<vmem>>, %arg13: memref<1x512xf32, #tpu.memory_space<vmem>>, %arg14: memref<256x128xbf16, #tpu.memory_space<vmem>>, %arg15: memref<1x128xf32, #tpu.memory_space<vmem>>, %arg16: memref<128x50xbf16, #tpu.memory_space<vmem>>, %arg17: memref<1x50xf32, #tpu.memory_space<vmem>>, %arg18: memref<256x256xbf16, #tpu.memory_space<vmem>>, %arg19: memref<1x256xf32, #tpu.memory_space<vmem>>, %arg20: memref<1024x256xf32, #tpu.memory_space<vmem>>, %arg21: memref<1024x256xf32, #tpu.memory_space<vmem>>, %arg22: memref<1024x50xf32, #tpu.memory_space<vmem>>, %arg23: memref<1024x512xbf16, #tpu.memory_space<vmem>>, %arg24: memref<1024x256xf32, #tpu.memory_space<vmem>>) attributes {dimension_semantics = [], scalar_prefetch = 0 : i64, scratch_operands = 0 : i64, tpu.core_type = #tpu.core_type<tc>} {
    %get3A = arith.constant 0 : index
    %get3A_0 = arith.constant 0 : index
    %get3A_1 = arith.constant 0 : index
    %get3A_2 = vector.load %arg0[%get3A, %get3A_0, %get3A_1] : memref<1024x3x1024xf32, #tpu.memory_space<vmem>>, vector<1024x3x1024xf32>
    %slice3A = vector.extract_strided_slice %get3A_2 {offsets = [0, 0, 0], sizes = [1024, 1, 1024], strides = [1, 1, 1]} : vector<1024x3x1024xf32> to vector<1024x1x1024xf32>
    %squeeze3A = vector.shape_cast %slice3A : vector<1024x1x1024xf32> to vector<1024x1024xf32>
    %slice3A_3 = vector.extract_strided_slice %get3A_2 {offsets = [0, 1, 0], sizes = [1024, 1, 1024], strides = [1, 1, 1]} : vector<1024x3x1024xf32> to vector<1024x1x1024xf32>
    %squeeze3A_4 = vector.shape_cast %slice3A_3 : vector<1024x1x1024xf32> to vector<1024x1024xf32>
    %add3A = arith.addf %squeeze3A, %squeeze3A_4 : vector<1024x1024xf32>
    %slice3A_5 = vector.extract_strided_slice %get3A_2 {offsets = [0, 2, 0], sizes = [1024, 1, 1024], strides = [1, 1, 1]} : vector<1024x3x1024xf32> to vector<1024x1x1024xf32>
    %squeeze3A_6 = vector.shape_cast %slice3A_5 : vector<1024x1x1024xf32> to vector<1024x1024xf32>
    %add3A_7 = arith.addf %add3A, %squeeze3A_6 : vector<1024x1024xf32>
    %mul3A = arith.constant 0.333333343 : f32
    %mul3A_8 = vector.broadcast %mul3A : f32 to vector<1024x1024xf32>
    %mul3A_9 = arith.mulf %add3A_7, %mul3A_8 : vector<1024x1024xf32>
    %convert_element_type3A = arith.truncf %mul3A_9 : vector<1024x1024xf32> to vector<1024x1024xbf16>
    %get3A_10 = arith.constant 0 : index
    %get3A_11 = arith.constant 0 : index
    %get3A_12 = vector.load %arg1[%get3A_10, %get3A_11] : memref<1024x1024xbf16, #tpu.memory_space<vmem>>, vector<1024x1024xbf16>
    %dot_general3A = arith.constant dense<0.000000e+00> : vector<1024x1024xf32>
    %dot_general3A_13 = tpu.matmul %convert_element_type3A, %get3A_12, %dot_general3A {dimension_numbers = #tpu.dot_dimension_numbers<[1], [0], [0], [1], [0, 0, 1, 1], [], []>, transpose_lhs_hint = false} : vector<1024x1024xbf16>, vector<1024x1024xbf16>, vector<1024x1024xf32> -> vector<1024x1024xf32>
    %get3A_14 = arith.constant 0 : index
    %get3A_15 = arith.constant 0 : index
    %get3A_16 = vector.load %arg2[%get3A_14, %get3A_15] : memref<1x1024xf32, #tpu.memory_space<vmem>>, vector<1x1024xf32>
    %add3A_17 = vector.broadcast %get3A_16 : vector<1x1024xf32> to vector<1024x1024xf32>
    %add3A_18 = arith.addf %dot_general3A_13, %add3A_17 : vector<1024x1024xf32>
    %max3A = arith.constant 0.000000e+00 : f32
    %max3A_19 = vector.broadcast %max3A : f32 to vector<1024x1024xf32>
    %max3A_20 = arith.maximumf %add3A_18, %max3A_19 : vector<1024x1024xf32>
    %convert_element_type3A_21 = arith.truncf %max3A_20 : vector<1024x1024xf32> to vector<1024x1024xbf16>
    %get3A_22 = arith.constant 0 : index
    %get3A_23 = arith.constant 0 : index
    %get3A_24 = vector.load %arg3[%get3A_22, %get3A_23] : memref<1024x256xbf16, #tpu.memory_space<vmem>>, vector<1024x256xbf16>
    %dot_general3A_25 = arith.constant dense<0.000000e+00> : vector<1024x256xf32>
    %dot_general3A_26 = tpu.matmul %convert_element_type3A_21, %get3A_24, %dot_general3A_25 {dimension_numbers = #tpu.dot_dimension_numbers<[1], [0], [0], [1], [0, 0, 1, 1], [], []>, transpose_lhs_hint = false} : vector<1024x1024xbf16>, vector<1024x256xbf16>, vector<1024x256xf32> -> vector<1024x256xf32>
    %get3A_27 = arith.constant 0 : index
    %get3A_28 = arith.constant 0 : index
    %get3A_29 = vector.load %arg4[%get3A_27, %get3A_28] : memref<1024x256xbf16, #tpu.memory_space<vmem>>, vector<1024x256xbf16>
    %dot_general3A_30 = arith.constant dense<0.000000e+00> : vector<1024x256xf32>
    %dot_general3A_31 = tpu.matmul %convert_element_type3A, %get3A_29, %dot_general3A_30 {dimension_numbers = #tpu.dot_dimension_numbers<[1], [0], [0], [1], [0, 0, 1, 1], [], []>, transpose_lhs_hint = false} : vector<1024x1024xbf16>, vector<1024x256xbf16>, vector<1024x256xf32> -> vector<1024x256xf32>
    %add3A_32 = arith.addf %dot_general3A_26, %dot_general3A_31 : vector<1024x256xf32>
    %get3A_33 = arith.constant 0 : index
    %get3A_34 = arith.constant 0 : index
    %get3A_35 = vector.load %arg5[%get3A_33, %get3A_34] : memref<1x256xf32, #tpu.memory_space<vmem>>, vector<1x256xf32>
    %add3A_36 = vector.broadcast %get3A_35 : vector<1x256xf32> to vector<1024x256xf32>
    %add3A_37 = arith.addf %add3A_32, %add3A_36 : vector<1024x256xf32>
    %reduce_sum3A = arith.constant dense<0.000000e+00> : vector<1024xf32>
    %reduce_sum3A_38 = vector.multi_reduction <add>, %add3A_37, %reduce_sum3A [1] : vector<1024x256xf32> to vector<1024xf32>
    %broadcast_in_dim3A = vector.shape_cast %reduce_sum3A_38 : vector<1024xf32> to vector<1024x1xf32>
    %div3A = arith.constant 2.560000e+02 : f32
    %div3A_39 = vector.broadcast %div3A : f32 to vector<1024x1xf32>
    %div3A_40 = arith.divf %broadcast_in_dim3A, %div3A_39 : vector<1024x1xf32>
    %sub3A = vector.broadcast %div3A_40 : vector<1024x1xf32> to vector<1024x256xf32>
    %sub3A_41 = arith.subf %add3A_37, %sub3A : vector<1024x256xf32>
    %integer_pow3A = arith.mulf %sub3A_41, %sub3A_41 : vector<1024x256xf32>
    %reduce_sum3A_42 = arith.constant dense<0.000000e+00> : vector<1024xf32>
    %reduce_sum3A_43 = vector.multi_reduction <add>, %integer_pow3A, %reduce_sum3A_42 [1] : vector<1024x256xf32> to vector<1024xf32>
    %broadcast_in_dim3A_44 = vector.shape_cast %reduce_sum3A_43 : vector<1024xf32> to vector<1024x1xf32>
    %div3A_45 = arith.constant 2.560000e+02 : f32
    %div3A_46 = vector.broadcast %div3A_45 : f32 to vector<1024x1xf32>
    %div3A_47 = arith.divf %broadcast_in_dim3A_44, %div3A_46 : vector<1024x1xf32>
    %sub3A_48 = vector.broadcast %div3A_40 : vector<1024x1xf32> to vector<1024x256xf32>
    %sub3A_49 = arith.subf %add3A_37, %sub3A_48 : vector<1024x256xf32>
    %add3A_50 = arith.constant 9.99999974E-6 : f32
    %add3A_51 = vector.broadcast %add3A_50 : f32 to vector<1024x1xf32>
    %add3A_52 = arith.addf %div3A_47, %add3A_51 : vector<1024x1xf32>
    %rsqrt3A = math.rsqrt %add3A_52 : vector<1024x1xf32>
    %mul3A_53 = vector.broadcast %rsqrt3A : vector<1024x1xf32> to vector<1024x256xf32>
    %mul3A_54 = arith.mulf %sub3A_49, %mul3A_53 : vector<1024x256xf32>
    %get3A_55 = arith.constant 0 : index
    %get3A_56 = arith.constant 0 : index
    %get3A_57 = vector.load %arg6[%get3A_55, %get3A_56] : memref<1x256xf32, #tpu.memory_space<vmem>>, vector<1x256xf32>
    %mul3A_58 = vector.broadcast %get3A_57 : vector<1x256xf32> to vector<1024x256xf32>
    %mul3A_59 = arith.mulf %mul3A_54, %mul3A_58 : vector<1024x256xf32>
    %get3A_60 = arith.constant 0 : index
    %get3A_61 = arith.constant 0 : index
    %get3A_62 = vector.load %arg7[%get3A_60, %get3A_61] : memref<1x256xf32, #tpu.memory_space<vmem>>, vector<1x256xf32>
    %add3A_63 = vector.broadcast %get3A_62 : vector<1x256xf32> to vector<1024x256xf32>
    %add3A_64 = arith.addf %mul3A_59, %add3A_63 : vector<1024x256xf32>
    %swap3A = arith.constant 0 : index
    %swap3A_65 = arith.constant 0 : index
    %swap3A_66 = vector.load %arg20[%swap3A, %swap3A_65] : memref<1024x256xf32, #tpu.memory_space<vmem>>, vector<1024x256xf32>
    tpu.vector_store %arg20[%swap3A, %swap3A_65], %add3A_64 {strides = array<i32>} : memref<1024x256xf32, #tpu.memory_space<vmem>>, vector<1024x256xf32>,
    %convert_element_type3A_67 = arith.truncf %add3A_64 : vector<1024x256xf32> to vector<1024x256xbf16>
    %get3A_68 = arith.constant 0 : index
    %get3A_69 = arith.constant 0 : index
    %get3A_70 = vector.load %arg8[%get3A_68, %get3A_69] : memref<256x256xbf16, #tpu.memory_space<vmem>>, vector<256x256xbf16>
    %dot_general3A_71 = arith.constant dense<0.000000e+00> : vector<1024x256xf32>
    %dot_general3A_72 = tpu.matmul %convert_element_type3A_67, %get3A_70, %dot_general3A_71 {dimension_numbers = #tpu.dot_dimension_numbers<[1], [0], [0], [1], [0, 0, 1, 1], [], []>, transpose_lhs_hint = false} : vector<1024x256xbf16>, vector<256x256xbf16>, vector<1024x256xf32> -> vector<1024x256xf32>
    %get3A_73 = arith.constant 0 : index
    %get3A_74 = arith.constant 0 : index
    %get3A_75 = vector.load %arg9[%get3A_73, %get3A_74] : memref<1x256xf32, #tpu.memory_space<vmem>>, vector<1x256xf32>
    %add3A_76 = vector.broadcast %get3A_75 : vector<1x256xf32> to vector<1024x256xf32>
    %add3A_77 = arith.addf %dot_general3A_72, %add3A_76 : vector<1024x256xf32>
    %max3A_78 = arith.constant 0.000000e+00 : f32
    %max3A_79 = vector.broadcast %max3A_78 : f32 to vector<1024x256xf32>
    %max3A_80 = arith.maximumf %add3A_77, %max3A_79 : vector<1024x256xf32>
    %convert_element_type3A_81 = arith.truncf %max3A_80 : vector<1024x256xf32> to vector<1024x256xbf16>
    %get3A_82 = arith.constant 0 : index
    %get3A_83 = arith.constant 0 : index
    %get3A_84 = vector.load %arg10[%get3A_82, %get3A_83] : memref<256x256xbf16, #tpu.memory_space<vmem>>, vector<256x256xbf16>
    %dot_general3A_85 = arith.constant dense<0.000000e+00> : vector<1024x256xf32>
    %dot_general3A_86 = tpu.matmul %convert_element_type3A_81, %get3A_84, %dot_general3A_85 {dimension_numbers = #tpu.dot_dimension_numbers<[1], [0], [0], [1], [0, 0, 1, 1], [], []>, transpose_lhs_hint = false} : vector<1024x256xbf16>, vector<256x256xbf16>, vector<1024x256xf32> -> vector<1024x256xf32>
    %get3A_87 = arith.constant 0 : index
    %get3A_88 = arith.constant 0 : index
    %get3A_89 = vector.load %arg11[%get3A_87, %get3A_88] : memref<1x256xf32, #tpu.memory_space<vmem>>, vector<1x256xf32>
    %add3A_90 = vector.broadcast %get3A_89 : vector<1x256xf32> to vector<1024x256xf32>
    %add3A_91 = arith.addf %dot_general3A_86, %add3A_90 : vector<1024x256xf32>
    %swap3A_92 = arith.constant 0 : index
    %swap3A_93 = arith.constant 0 : index
    %swap3A_94 = vector.load %arg21[%swap3A_92, %swap3A_93] : memref<1024x256xf32, #tpu.memory_space<vmem>>, vector<1024x256xf32>
    tpu.vector_store %arg21[%swap3A_92, %swap3A_93], %add3A_91 {strides = array<i32>} : memref<1024x256xf32, #tpu.memory_space<vmem>>, vector<1024x256xf32>,
    %get3A_95 = arith.constant 0 : index
    %get3A_96 = arith.constant 0 : index
    %get3A_97 = vector.load %arg12[%get3A_95, %get3A_96] : memref<256x512xbf16, #tpu.memory_space<vmem>>, vector<256x512xbf16>
    %dot_general3A_98 = arith.constant dense<0.000000e+00> : vector<1024x512xf32>
    %dot_general3A_99 = tpu.matmul %convert_element_type3A_67, %get3A_97, %dot_general3A_98 {dimension_numbers = #tpu.dot_dimension_numbers<[1], [0], [0], [1], [0, 0, 1, 1], [], []>, transpose_lhs_hint = false} : vector<1024x256xbf16>, vector<256x512xbf16>, vector<1024x512xf32> -> vector<1024x512xf32>
    %get3A_100 = arith.constant 0 : index
    %get3A_101 = arith.constant 0 : index
    %get3A_102 = vector.load %arg13[%get3A_100, %get3A_101] : memref<1x512xf32, #tpu.memory_space<vmem>>, vector<1x512xf32>
    %add3A_103 = vector.broadcast %get3A_102 : vector<1x512xf32> to vector<1024x512xf32>
    %add3A_104 = arith.addf %dot_general3A_99, %add3A_103 : vector<1024x512xf32>
    %max3A_105 = arith.constant 0.000000e+00 : f32
    %max3A_106 = vector.broadcast %max3A_105 : f32 to vector<1024x512xf32>
    %max3A_107 = arith.maximumf %add3A_104, %max3A_106 : vector<1024x512xf32>
    %convert_element_type3A_108 = arith.truncf %max3A_107 : vector<1024x512xf32> to vector<1024x512xbf16>
    %swap3A_109 = arith.constant 0 : index
    %swap3A_110 = arith.constant 0 : index
    %swap3A_111 = vector.load %arg23[%swap3A_109, %swap3A_110] : memref<1024x512xbf16, #tpu.memory_space<vmem>>, vector<1024x512xbf16>
    tpu.vector_store %arg23[%swap3A_109, %swap3A_110], %convert_element_type3A_108 {strides = array<i32>} : memref<1024x512xbf16, #tpu.memory_space<vmem>>, vector<1024x512xbf16>,
    %get3A_112 = arith.constant 0 : index
    %get3A_113 = arith.constant 0 : index
    %get3A_114 = vector.load %arg14[%get3A_112, %get3A_113] : memref<256x128xbf16, #tpu.memory_space<vmem>>, vector<256x128xbf16>
    %dot_general3A_115 = arith.constant dense<0.000000e+00> : vector<1024x128xf32>
    %dot_general3A_116 = tpu.matmul %convert_element_type3A_67, %get3A_114, %dot_general3A_115 {dimension_numbers = #tpu.dot_dimension_numbers<[1], [0], [0], [1], [0, 0, 1, 1], [], []>, transpose_lhs_hint = false} : vector<1024x256xbf16>, vector<256x128xbf16>, vector<1024x128xf32> -> vector<1024x128xf32>
    %get3A_117 = arith.constant 0 : index
    %get3A_118 = arith.constant 0 : index
    %get3A_119 = vector.load %arg15[%get3A_117, %get3A_118] : memref<1x128xf32, #tpu.memory_space<vmem>>, vector<1x128xf32>
    %add3A_120 = vector.broadcast %get3A_119 : vector<1x128xf32> to vector<1024x128xf32>
    %add3A_121 = arith.addf %dot_general3A_116, %add3A_120 : vector<1024x128xf32>
    %max3A_122 = arith.constant 0.000000e+00 : f32
    %max3A_123 = vector.broadcast %max3A_122 : f32 to vector<1024x128xf32>
    %max3A_124 = arith.maximumf %add3A_121, %max3A_123 : vector<1024x128xf32>
    %convert_element_type3A_125 = arith.truncf %max3A_124 : vector<1024x128xf32> to vector<1024x128xbf16>
    %get3A_126 = arith.constant 0 : index
    %get3A_127 = arith.constant 0 : index
    %get3A_128 = vector.load %arg16[%get3A_126, %get3A_127] : memref<128x50xbf16, #tpu.memory_space<vmem>>, vector<128x50xbf16>
    %dot_general3A_129 = arith.constant dense<0.000000e+00> : vector<1024x50xf32>
    %dot_general3A_130 = tpu.matmul %convert_element_type3A_125, %get3A_128, %dot_general3A_129 {dimension_numbers = #tpu.dot_dimension_numbers<[1], [0], [0], [1], [0, 0, 1, 1], [], []>, transpose_lhs_hint = false} : vector<1024x128xbf16>, vector<128x50xbf16>, vector<1024x50xf32> -> vector<1024x50xf32>
    %get3A_131 = arith.constant 0 : index
    %get3A_132 = arith.constant 0 : index
    %get3A_133 = vector.load %arg17[%get3A_131, %get3A_132] : memref<1x50xf32, #tpu.memory_space<vmem>>, vector<1x50xf32>
    %add3A_134 = vector.broadcast %get3A_133 : vector<1x50xf32> to vector<1024x50xf32>
    %add3A_135 = arith.addf %dot_general3A_130, %add3A_134 : vector<1024x50xf32>
    %swap3A_136 = arith.constant 0 : index
    %swap3A_137 = arith.constant 0 : index
    %swap3A_138 = vector.load %arg22[%swap3A_136, %swap3A_137] : memref<1024x50xf32, #tpu.memory_space<vmem>>, vector<1024x50xf32>
    tpu.vector_store %arg22[%swap3A_136, %swap3A_137], %add3A_135 {strides = array<i32>} : memref<1024x50xf32, #tpu.memory_space<vmem>>, vector<1024x50xf32>,
    %convert_element_type3A_139 = arith.truncf %add3A_91 : vector<1024x256xf32> to vector<1024x256xbf16>
    %get3A_140 = arith.constant 0 : index
    %get3A_141 = arith.constant 0 : index
    %get3A_142 = vector.load %arg18[%get3A_140, %get3A_141] : memref<256x256xbf16, #tpu.memory_space<vmem>>, vector<256x256xbf16>
    %dot_general3A_143 = arith.constant dense<0.000000e+00> : vector<1024x256xf32>
    %dot_general3A_144 = tpu.matmul %convert_element_type3A_139, %get3A_142, %dot_general3A_143 {dimension_numbers = #tpu.dot_dimension_numbers<[1], [0], [0], [1], [0, 0, 1, 1], [], []>, transpose_lhs_hint = false} : vector<1024x256xbf16>, vector<256x256xbf16>, vector<1024x256xf32> -> vector<1024x256xf32>
    %get3A_145 = arith.constant 0 : index
    %get3A_146 = arith.constant 0 : index
    %get3A_147 = vector.load %arg19[%get3A_145, %get3A_146] : memref<1x256xf32, #tpu.memory_space<vmem>>, vector<1x256xf32>
    %add3A_148 = vector.broadcast %get3A_147 : vector<1x256xf32> to vector<1024x256xf32>
    %add3A_149 = arith.addf %dot_general3A_144, %add3A_148 : vector<1024x256xf32>
    %swap3A_150 = arith.constant 0 : index
    %swap3A_151 = arith.constant 0 : index
    %swap3A_152 = vector.load %arg24[%swap3A_150, %swap3A_151] : memref<1024x256xf32, #tpu.memory_space<vmem>>, vector<1024x256xf32>
    tpu.vector_store %arg24[%swap3A_150, %swap3A_151], %add3A_149 {strides = array<i32>} : memref<1024x256xf32, #tpu.memory_space<vmem>>, vector<1024x256xf32>,
    return
  }
}

module attributes {stable_mosaic.version = 14 : i64} {
  func.func @_neigh_body(%arg0: i32, %arg1: memref<1024x512xbf16, #tpu.memory_space<vmem>>, %arg2: memref<1024x256xf32, #tpu.memory_space<vmem>>, %arg3: memref<512x256xbf16, #tpu.memory_space<vmem>>, %arg4: memref<1x1x256xf32, #tpu.memory_space<vmem>>, %arg5: memref<256x256xbf16, #tpu.memory_space<vmem>>, %arg6: memref<1024x256xf32, #tpu.memory_space<vmem>>, %arg7: memref<1024x256xbf16, #tpu.memory_space<vmem>>) attributes {dimension_semantics = [#tpu.dimension_semantics<arbitrary>], iteration_bounds = array<i64: 49>, scalar_prefetch = 0 : i64, scratch_operands = 0 : i64, tpu.core_type = #tpu.core_type<tc>, window_params = [{pipeline_mode = #tpu.pipeline_mode<synchronous>, transform_indices = @transform_0, window_bounds = array<i64: 1024, 512>}, {pipeline_mode = #tpu.pipeline_mode<synchronous>, transform_indices = @transform_1, window_bounds = array<i64: 1024, 256>}, {transform_indices = @transform_2, window_bounds = array<i64: 512, 256>}, {transform_indices = @transform_3, window_bounds = array<i64: 1, 1, 256>}, {pipeline_mode = #tpu.pipeline_mode<synchronous>, transform_indices = @transform_4, window_bounds = array<i64: 256, 256>}, {transform_indices = @transform_5, window_bounds = array<i64: 1024, 256>}, {transform_indices = @transform_6, window_bounds = array<i64: 1024, 256>}]} {
    %get3A = arith.constant 0 : index
    %get3A_0 = arith.constant 0 : index
    %get3A_1 = vector.load %arg1[%get3A, %get3A_0] : memref<1024x512xbf16, #tpu.memory_space<vmem>>, vector<1024x512xbf16>
    %get3A_2 = arith.constant 0 : index
    %get3A_3 = arith.constant 0 : index
    %get3A_4 = vector.load %arg3[%get3A_2, %get3A_3] : memref<512x256xbf16, #tpu.memory_space<vmem>>, vector<512x256xbf16>
    %dot_general3A = arith.constant dense<0.000000e+00> : vector<1024x256xf32>
    %dot_general3A_5 = tpu.matmul %get3A_1, %get3A_4, %dot_general3A {dimension_numbers = #tpu.dot_dimension_numbers<[1], [0], [0], [1], [0, 0, 1, 1], [], []>, transpose_lhs_hint = false} : vector<1024x512xbf16>, vector<512x256xbf16>, vector<1024x256xf32> -> vector<1024x256xf32>
    %get3A_6 = arith.constant 0 : index
    %get3A_7 = arith.constant 0 : index
    %get3A_8 = arith.constant 0 : index
    %get3A_9 = vector.load %arg4[%get3A_6, %get3A_7, %get3A_8] : memref<1x1x256xf32, #tpu.memory_space<vmem>>, vector<1x1x256xf32>
    %get3A_10 = vector.shape_cast %get3A_9 : vector<1x1x256xf32> to vector<1x256xf32>
    %add3A = vector.broadcast %get3A_10 : vector<1x256xf32> to vector<1024x256xf32>
    %add3A_11 = arith.addf %dot_general3A_5, %add3A : vector<1024x256xf32>
    %swap3A = arith.constant 0 : index
    %swap3A_12 = arith.constant 0 : index
    %swap3A_13 = vector.load %arg6[%swap3A, %swap3A_12] : memref<1024x256xf32, #tpu.memory_space<vmem>>, vector<1024x256xf32>
    tpu.vector_store %arg6[%swap3A, %swap3A_12], %add3A_11 {strides = array<i32>} : memref<1024x256xf32, #tpu.memory_space<vmem>>, vector<1024x256xf32>,
    %convert_element_type3A = arith.truncf %add3A_11 : vector<1024x256xf32> to vector<1024x256xbf16>
    %get3A_14 = arith.constant 0 : index
    %get3A_15 = arith.constant 0 : index
    %get3A_16 = vector.load %arg5[%get3A_14, %get3A_15] : memref<256x256xbf16, #tpu.memory_space<vmem>>, vector<256x256xbf16>
    %dot_general3A_17 = arith.constant dense<0.000000e+00> : vector<1024x256xf32>
    %dot_general3A_18 = tpu.matmul %convert_element_type3A, %get3A_16, %dot_general3A_17 {dimension_numbers = #tpu.dot_dimension_numbers<[1], [0], [0], [1], [0, 0, 1, 1], [], []>, transpose_lhs_hint = false} : vector<1024x256xbf16>, vector<256x256xbf16>, vector<1024x256xf32> -> vector<1024x256xf32>
    %get3A_19 = arith.constant 0 : index
    %get3A_20 = arith.constant 0 : index
    %get3A_21 = vector.load %arg2[%get3A_19, %get3A_20] : memref<1024x256xf32, #tpu.memory_space<vmem>>, vector<1024x256xf32>
    %add3A_22 = arith.addf %dot_general3A_18, %get3A_21 : vector<1024x256xf32>
    %max3A = arith.constant 0.000000e+00 : f32
    %max3A_23 = vector.broadcast %max3A : f32 to vector<1024x256xf32>
    %max3A_24 = arith.maximumf %add3A_22, %max3A_23 : vector<1024x256xf32>
    %convert_element_type3A_25 = arith.truncf %max3A_24 : vector<1024x256xf32> to vector<1024x256xbf16>
    %swap3A_26 = arith.constant 0 : index
    %swap3A_27 = arith.constant 0 : index
    %swap3A_28 = vector.load %arg7[%swap3A_26, %swap3A_27] : memref<1024x256xbf16, #tpu.memory_space<vmem>>, vector<1024x256xbf16>
    tpu.vector_store %arg7[%swap3A_26, %swap3A_27], %convert_element_type3A_25 {strides = array<i32>} : memref<1024x256xbf16, #tpu.memory_space<vmem>>, vector<1024x256xbf16>,
    return
  }
  func.func @transform_0(%arg0: i32) -> (i32, i32) {
    %c0_i32 = arith.constant 0 : i32
    %c0_i32_0 = arith.constant 0 : i32
    %c0_i32_1 = arith.constant 0 : i32
    return %c0_i32, %c0_i32_0 : i32, i32
  }
  func.func @transform_1(%arg0: i32) -> (i32, i32) {
    %c0_i32 = arith.constant 0 : i32
    %c0_i32_0 = arith.constant 0 : i32
    %c0_i32_1 = arith.constant 0 : i32
    return %c0_i32, %c0_i32_0 : i32, i32
  }
  func.func @transform_2(%arg0: i32) -> (i32, i32) {
    %c0_i32 = arith.constant 0 : i32
    %c0_i32_0 = arith.constant 0 : i32
    return %c0_i32, %arg0 : i32, i32
  }
  func.func @transform_3(%arg0: i32) -> (i32, i32, i32) {
    %c0_i32 = arith.constant 0 : i32
    %c0_i32_0 = arith.constant 0 : i32
    %c0_i32_1 = arith.constant 0 : i32
    return %arg0, %c0_i32, %c0_i32_0 : i32, i32, i32
  }
  func.func @transform_4(%arg0: i32) -> (i32, i32) {
    %c0_i32 = arith.constant 0 : i32
    %c0_i32_0 = arith.constant 0 : i32
    %c0_i32_1 = arith.constant 0 : i32
    return %c0_i32, %c0_i32_0 : i32, i32
  }
  func.func @transform_5(%arg0: i32) -> (i32, i32) {
    %c0_i32 = arith.constant 0 : i32
    %c0_i32_0 = arith.constant 0 : i32
    return %c0_i32, %arg0 : i32, i32
  }
  func.func @transform_6(%arg0: i32) -> (i32, i32) {
    %c0_i32 = arith.constant 0 : i32
    %c0_i32_0 = arith.constant 0 : i32
    return %c0_i32, %arg0 : i32, i32
  }
}

module attributes {stable_mosaic.version = 14 : i64} {
  func.func @_edge_body(%arg0: i32, %arg1: memref<3136x256xbf16, #tpu.memory_space<vmem>>, %arg2: memref<256x1000xbf16, #tpu.memory_space<vmem>>, %arg3: memref<1x1000xf32, #tpu.memory_space<vmem>>, %arg4: memref<3136x1000xf32, #tpu.memory_space<vmem>>) attributes {dimension_semantics = [#tpu.dimension_semantics<arbitrary>], iteration_bounds = array<i64: 16>, scalar_prefetch = 0 : i64, scratch_operands = 0 : i64, tpu.core_type = #tpu.core_type<tc>, window_params = [{transform_indices = @transform_0, window_bounds = array<i64: 3136, 256>}, {pipeline_mode = #tpu.pipeline_mode<synchronous>, transform_indices = @transform_1, window_bounds = array<i64: 256, 1000>}, {pipeline_mode = #tpu.pipeline_mode<synchronous>, transform_indices = @transform_2, window_bounds = array<i64: 1, 1000>}, {transform_indices = @transform_3, window_bounds = array<i64: 3136, 1000>}]} {
    %get3A = arith.constant 0 : index
    %get3A_0 = arith.constant 0 : index
    %get3A_1 = vector.load %arg1[%get3A, %get3A_0] : memref<3136x256xbf16, #tpu.memory_space<vmem>>, vector<3136x256xbf16>
    %get3A_2 = arith.constant 0 : index
    %get3A_3 = arith.constant 0 : index
    %get3A_4 = vector.load %arg2[%get3A_2, %get3A_3] : memref<256x1000xbf16, #tpu.memory_space<vmem>>, vector<256x1000xbf16>
    %dot_general3A = arith.constant dense<0.000000e+00> : vector<3136x1000xf32>
    %dot_general3A_5 = tpu.matmul %get3A_1, %get3A_4, %dot_general3A {dimension_numbers = #tpu.dot_dimension_numbers<[1], [0], [0], [1], [0, 0, 1, 1], [], []>, transpose_lhs_hint = false} : vector<3136x256xbf16>, vector<256x1000xbf16>, vector<3136x1000xf32> -> vector<3136x1000xf32>
    %get3A_6 = arith.constant 0 : index
    %get3A_7 = arith.constant 0 : index
    %get3A_8 = vector.load %arg3[%get3A_6, %get3A_7] : memref<1x1000xf32, #tpu.memory_space<vmem>>, vector<1x1000xf32>
    %add3A = vector.broadcast %get3A_8 : vector<1x1000xf32> to vector<3136x1000xf32>
    %add3A_9 = arith.addf %dot_general3A_5, %add3A : vector<3136x1000xf32>
    %swap3A = arith.constant 0 : index
    %swap3A_10 = arith.constant 0 : index
    %swap3A_11 = vector.load %arg4[%swap3A, %swap3A_10] : memref<3136x1000xf32, #tpu.memory_space<vmem>>, vector<3136x1000xf32>
    tpu.vector_store %arg4[%swap3A, %swap3A_10], %add3A_9 {strides = array<i32>} : memref<3136x1000xf32, #tpu.memory_space<vmem>>, vector<3136x1000xf32>,
    return
  }
  func.func @transform_0(%arg0: i32) -> (i32, i32) {
    %c0_i32 = arith.constant 0 : i32
    %c0_i32_0 = arith.constant 0 : i32
    return %arg0, %c0_i32 : i32, i32
  }
  func.func @transform_1(%arg0: i32) -> (i32, i32) {
    %c0_i32 = arith.constant 0 : i32
    %c0_i32_0 = arith.constant 0 : i32
    %c0_i32_1 = arith.constant 0 : i32
    return %c0_i32, %c0_i32_0 : i32, i32
  }
  func.func @transform_2(%arg0: i32) -> (i32, i32) {
    %c0_i32 = arith.constant 0 : i32
    %c0_i32_0 = arith.constant 0 : i32
    %c0_i32_1 = arith.constant 0 : i32
    return %c0_i32, %c0_i32_0 : i32, i32
  }
  func.func @transform_3(%arg0: i32) -> (i32, i32) {
    %c0_i32 = arith.constant 0 : i32
    %c0_i32_0 = arith.constant 0 : i32
    return %arg0, %c0_i32 : i32, i32
  }
}

</mosaic_0001>

<sc_bundles>
// kernel: sparse-core-data-format-call.1.cloned.1.call-start
scs
called_computation.1_lowered:
.L_overlay_start_0:
0x0: {  	s2 =	sld [smem:$0x3FD9]  }
0x1: {  	s3 =	sld [smem:$0x3FFE];
	_ =	sdelay $0x1  }
0x2: {  	s1 =	srdreg.scid  }
0x3: {  	s0 =	sand.u32 $0x1, s1  }
0x4: {  	s15 =	sshll.u32 s0, $0xA;
	s2 =	sadd.s32 s3, s2  }
0x5: {  	s2 =	sadd.s32 s2, s15  }
0x6: {  	[smem:$0x3FAF] =	sst s2  }
0x7: {  	_ = 	snop  }
0x8: {  	s2 =	sld [smem:$0x3FD0];
	_ =	sdelay $0x2  }
0x9: {  	s16 =	simm.s32 $0xB;
	s4 =	simm.s32 $0x10  }
0xa: {  	[smem:s4], [sflag:s16] =	dma.local [hbm:s2], $0x1  }
0xb: {  	_ =	swait.eq [sflag:s16], $0x1  }
0xc: {  	[sflag:s16] =	ssyncset.done $0x0  }
0xd: {  	[sflag:s16] =	ssyncadd.s32 $0xFFFFFFFF  }
0xe: {  	s17 =	sld [smem:$0x12];
	(tm) =	ssettm $0x1  }
0xf: {  	s18 =	sld [smem:$0x3FFB];
	_ =	sdelay $0x3  }
0x10: {  	_ =	strace s18  }
0x11: {  	s3 =	sld [smem:$0x3FFC];
	_ =	sdelay $0x3  }
0x12: {  	_ =	strace s3  }
0x13: {  	s3 =	sld [smem:$0x3FFD];
	_ =	sdelay $0x3  }
0x14: {  	_ =	strace s3  }
0x15: {  	_ =	strace $0x8FFFFFFF  }
0x16: {  	s19 =	sld [smem:$0x3FDB];
	_ =	sdelay $0x1  }
0x17: {  	s20 =	simm.s32 $_scs_section_size  }
0x18: {  	s5 =	simm.s32 $_size__tile_overlayer_lowered;
	s6 =	simm.s32 $_tile_overlayer_lowered  }
0x19: {  	s23 =	simm.s32 $0x1BFF;
	s22 =	sshll.u32 s6, $0x1;
	s3 =	sadd.s32 s20, s19  }
0x1a: {  	s7 =	simm.s32 $0x0;
	s21 =	sshll.u32 s5, $0x1;
	s5 =	sadd.s32 s22, s3  }
0x1b: {  	[timem:s7], [sflag:s23] =	dma.local [hbm:s5], s21  }
0x1c: {  	_ =	swait.ge [sflag:s23], s21  }
0x1d: {  	s4 =	ssub.s32 $0x0, s21;
	[sflag:s23] =	ssyncset.done $0x0  }
0x1e: {  	[sflag:s23] =	ssyncadd.s32 s4;
	_ =	sdelay $0x1  }
0x1f: {  	s24 =	simm.s32 $0x1B8B  }
0x20: {  	_ =	swait.ge [sflag:s24], $0x1  }
0x21: {  	[sflag:s24] =	ssyncset.done $0x0  }
0x22: {  	s26 =	simm.s32 $0x1B8E;
	s25 =	sld [smem:$0x3FFE];
	[sflag:s24] =	ssyncadd.s32 $0xFFFFFFFF  }
0x23: {  	s27 =	simm.s32 $execute0_lowered;
	[smem:$0x3FD2] =	sst s26  }
0x24: {  	s5 =	sshll.u32 s27, $0x1;
	_ =	strace $0x80000046;
	[dreg:$0x1] =	wrdreg $0xFFFFFFFF  }
0x25: {  	s28 =	simm.s32 $_size_execute0_lowered;
	s3 =	sadd.s32 s3, s5;
	[dreg:$0x0] =	wrdreg $0x0  }
0x26: {  	s5 =	sshll.u32 s28, $0x1;
	[dreg:$0x2] =	wrdreg s3  }
0x27: {  	[dreg:$0x3] =	wrdreg s5  }
0x28: {  	[dreg:$0x4] =	wrdreg $0xC0  }
0x29: {  	_ =	task [dreg:s7], $0x5FFFF  }
0x2a: {  	[dreg:$0x1] =	wrdreg $0xFFFFFFFF  }
0x2b: {  	[dreg:$0x0] =	wrdreg $0x60  }
0x2c: {  	[dreg:$0x2] =	wrdreg s25  }
0x2d: {  	[dreg:$0x3] =	wrdreg s17  }
0x2e: {  	[dreg:$0x4] =	wrdreg $0xA  }
0x2f: {  	_ =	task.clear_ibuf [dreg:s7], $0x5FFFF;
	_ =	strace $0x90000046  }
0x30: {  	s29 =	simm.s32 $0xA;
	_ =	strace $0x80000048  }
0x31: {  	_ =	swait.ge [sflag:s29], $0x1  }
0x32: {  	[sflag:s29] =	ssyncadd.s32 $0xFFFFFFFF  }
0x33: {  	_ =	strace $0x90000048  }
0x34: {  	_ =	sfence  }
0x35: {  	s30 =	sld [smem:$0x0];
	_ =	sdelay $0x2  }
0x36: {  	s31 =	sshll.u32 s1, $0xD;
	s1 =	sshrl.u32 s1, $0x2  }
0x37: {  	s3 =	sand.u32 $0x4000, s31;
	s1 =	sadd.s32 s1, s30  }
0x38: {  	s0 =	sor.u32 s3, s0;
	s1 =	sshll.u32 s1, $0x11  }
0x39: {  	s0 =	sor.u32 s1, s0  }
0x3a: {  	s0 =	sadd.s32 $0x8F2B, s0  }
0x3b: {  	[sflag:s0] =	ssyncadd.remote.s32 $0x1  }
0x3c: {  	_ =	sfence.sel $0xFFFF  }
0x3d: {  	[dreg:$0x0] =	wrdreg $0xFFFFFFFF;
	(pc) =	sbr.abs _section_cstart, $3  }
0x3e: {  	[dreg:$0x1] =	wrdreg $0xFFFFFFFF  }
0x3f: {  	_ =	task.clear_ibuf [dreg:s7], $0x2FFFF;
	_ =	strace $0x9FFFFFFF  }
0x40: {  	(tm) =	ssettm $0x7FFFFFFF  }
0x41: {  	_ =	shalt  }
tec
execute0_lowered:
.L_overlay_start_1:
0x0: {  	(tag) =	ssettag $0x1  }
0x1: {  	s8 =	rddreg [dreg:$0x0]  }
0x2: {  	s0 =	srdreg.scid;
	s2 =	rddreg [dreg:$0x1]  }
0x3: {  	s1 =	stileid.u32;
	s31 =	simm.s32 $0x2;
	s14 =	simm.s32 $0x0  }
0x4: {  	s16 =	simm.s32 $0x0;
	s15 =	simm.s32 $0x0;
	s0 =	sshll.u32 s0, $0x4  }
0x5: {  	s29 =	sshll.u32 s1, $0xD;
	s4 =	sshll.u32 s1, $0x6;
	s3 =	sand.u32 $0x10, s0  }
0x6: {  	s0 =	rddreg [dreg:$0x2];
	_ =	strace $0x80000047;
	s3 =	sor.u32 s1, s3  }
0x7: {  	s5 =	sshll.u32 s3, $0x5;
	s3 =	sand.u32 $0x80, s4;
	s4 =	sand.u32 $0x1, s1  }
0x8: {  	s6 =	sor.u32 s29, s5;
	s5 =	sand.u32 $0x380, s5;
	s7 =	ssub.s32 $0x100, s3  }
0x9: {  	s9 =	sxor.u32 $0x19, s4;
	s10 =	sshrl.u32 s7, $0x7;
	s11 =	ssub.s32 $0x400, s5  }
0xa: {  	s7 =	sshrl.u32 s7, $0x8;
	s30 =	sand.u32 $0x4380, s6;
	s10 =	sand.u32 $0x1, s10  }
0xb: {  	s6 =	simm.s32 $0x1;
	s12 =	sand.u32 $0x380, s11;
	s7 =	sadd.s32 s7, s10  }
0xc: {  	p0 =	sne.s32 s12, $0x0;
	s10 =	simm.s32 $0x1;
	s7 =	smul.u32 s9, s7  }
.Ltmp0:
0xd: {  	s11 =	sshrl.u32 s11, $0xA;
	s10 =	simm.s32 @!p0 $0x0;
	(pc) =	sbr.rel .LBB1_1-.Ltmp0, $4  }
0xe: {  	s13 =	simm.s32 $0x0;
	[sflag:s6] =	ssyncpa.u1 $0x0;
	s10 =	sadd.s32 s10, s11  }
0xf: {  	s8 =	sadd.s32 s30, s8;
	[sflag:s31] =	ssyncpa.u1 $0x0;
	s7 =	smul.u32 s10, s7  }
0x10: {  	s8 =	sadd.s32 $0x9400, s8;
	s12 =	smov.u32 s4;
	p0 =	por $0x0, $0x0  }
0x11: {  	s11 =	simm.s32 $0x800;
	s10 =	simm.s32 $0x400;
	s9 =	sadd.s32 $0x1, s7  }
.LBB1_4:
0x12: {  	v5 =	vld [tilespmem:s20+$0xFFFFFFD0];
	[tilespmem:s19+$0x2040 ss:$0x81] =	vst.msk $0xffff, v1  }
0x13: {  	v58 =	vld [tilespmem:s20+$0xFFFFFFE0];
	[tilespmem:s19+$0x2850 ss:$0x81] =	vst.msk $0xffff, v2  }
0x14: {  	s21 =	sshra.s32 s21, $0x2;
	v59 =	vld [tilespmem:s20+$0xFFFFFFF0];
	[tilespmem:s19+$0x3060 ss:$0x81] =	vst.msk $0xffff, v3  }
0x15: {  	v60 =	vld [tilespmem:s20+$0x0];
	[tilespmem:s19+$0x0 ss:$0x81] =	vst.msk $0xffff, v0;
	s18 =	sadd.s32 s21, s18  }
0x16: {  	v61 =	vld [tilespmem:s20+$0x10];
	[tilespmem:s18+$0x3870 ss:$0x81] =	vst.msk $0xffff, v4  }
0x17: {  	v62 =	vld [tilespmem:s20+$0x20];
	[tilespmem:s18+$0x810 ss:$0x81] =	vst.msk $0xffff, v5  }
0x18: {  	v63 =	vld [tilespmem:s20+$0xFFFFFFC0];
	[tilespmem:s18+$0x1020 ss:$0x81] =	vst.msk $0xffff, v58  }
0x19: {  	[tilespmem:s18+$0x1830 ss:$0x81] =	vst.msk $0xffff, v59  }
0x1a: {  	[tilespmem:s18+$0x2040 ss:$0x81] =	vst.msk $0xffff, v60  }
0x1b: {  	s15 =	sshll.u32 s15, $0xF;
	s16 =	sadd.s32 s2, s16;
	[tilespmem:s18+$0x2850 ss:$0x81] =	vst.msk $0xffff, v61  }
0x1c: {  	s14 =	sshll.u32 s14, $0x5;
	s15 =	sadd.s32 s15, s16;
	[tilespmem:s18+$0x3060 ss:$0x81] =	vst.msk $0xffff, v62  }
0x1d: {  	s14 =	sadd.s32 s14, s15;
	[tilespmem:s18+$0x0 ss:$0x81] =	vst.msk $0xffff, v63  }
0x1e: {  	[hbm4b:s14+s10] =	stream.strided.scatter [tilespmem:s17], [sflag:$0x2], $0x4000, s11, s10, $0x20;
	[tilespmem:$0x10100] =	vst v63  }
.LBB1_5:
0x1f: {  	s17 =	sadd.s32 $0x2, s12  }
0x20: {  	p2 =	sgt.s32 s17, $0x30  }
0x21: {  	s17 =	smov.u32 @p2 s4;
	p2 =	sne.s32 s13, s9  }
.Ltmp1:
0x22: {  	p1 =	slt.u32 s13, $0x2;
	(pc) =	sbr.rel @!p2 .LBB1_6-.Ltmp1, $4  }
0x23: {  	s18 =	sadd.s32 $0x1, s13;
	s14 =	simm.s32 @!p1 $0x2  }
0x24: {  	s15 =	smov.u32 s12;
	p0 =	por !p0, !p0;
	_ =	swait.ge @!p1 [sflag:s14], $0x4000  }
0x25: {  	s16 =	smov.u32 s3;
	s13 =	smov.u32 s18;
	[sflag:s14] =	ssyncset.done @!p1 $0x0  }
0x26: {  	s12 =	smov.u32 s17;
	[sflag:s14] =	ssyncadd.s32 @!p1 $0xFFFFC000;
	s14 =	smov.u32 s5  }
.LBB1_1:
0x27: {  	p1 =	sge.u32 s13, s7  }
0x28: {  	s31 =	sadd.s32 $0xFFFFFFFF, s13;
	s17 =	sxor.u32 @!p1 $0xFFFFFFFF, s13  }
0x29: {  	s18 =	sshll.u32 @!p1 s12, $0xF;
	s19 =	simm.s32 @!p1 $0x400;
	s17 =	sshll.u32 @!p1 s17, $0xE  }
0x2a: {  	s20 =	simm.s32 @!p1 $0x2000;
	s18 =	sadd.s32 @!p1 s18, s8;
	s17 =	sand.u32 @!p1 $0x4000, s17  }
0x2b: {  	[tilespmem:s17], [sflag:$0x1] =	stream.strided.gather @!p1 [hbm4b:s18+s19], $0x4000, s20, s19, $0x38;
	[tilespmem:$0x10100] =	vst v63  }
0x2c: {  	p1 =	sge.u32 s31, s7  }
.Ltmp2:
0x2d: {  	_ = 	snop;
	(pc) =	sbr.rel @p1 .LBB1_5-.Ltmp2, $1  }
0x2e: {  	_ =	sdelay $0x3  }
0x2f: {  	s17 =	simm.s32 $0x1  }
0x30: {  	_ =	swait.ge [sflag:s6], $0x4000;
	s17 =	simm.s32 @!p0 $0x0  }
0x31: {  	[sflag:s6] =	ssyncset.done $0x0;
	s18 =	sshll.u32 s17, $0xE  }
0x32: {  	[sflag:s6] =	ssyncadd.s32 $0xFFFFC000;
	s20 =	sor.u32 $0x40, s18  }
0x33: {  	s17 =	smul.u32 $0x10200, s17;
	v0 =	vld [tilespmem:s20+$0x30]  }
0x34: {  	v3 =	vld [tilespmem:s20+$0xFFFFFFD0]  }
0x35: {  	s17 =	sshrl.u32 s17, $0x2;
	v4 =	vld [tilespmem:s20+$0xFFFFFFE0]  }
0x36: {  	v5 =	vld [tilespmem:s20+$0xFFFFFFF0];
	s18 =	sor.u32 $0x8000, s17  }
0x37: {  	s31 =	sand.u32 $0x1, s13;
	v1 =	vld [tilespmem:s20+$0x0];
	s19 =	sadd.s32 $0x0, s18  }
0x38: {  	v2 =	vld [tilespmem:s20+$0x10];
	s17 =	smul.u32 $0x10200, s31;
	[tilespmem:s19+$0x3870 ss:$0x81] =	vst.msk $0xffff, v0  }
0x39: {  	[tilespmem:s19+$0x810 ss:$0x81] =	vst.msk $0xffff, v3;
	v3 =	vld [tilespmem:s20+$0x20]  }
0x3a: {  	s17 =	sshrl.u32 s17, $0x2;
	v0 =	vld [tilespmem:s20+$0xFFFFFFC0];
	[tilespmem:s19+$0x1020 ss:$0x81] =	vst.msk $0xffff, v4;
	s20 =	sadd.s32 $0x80, s20  }
0x3b: {  	s21 =	simm.s32 $0x4;
	s22 =	simm.s32 $0x8;
	s17 =	sor.u32 $0x8000, s17;
	[tilespmem:s19+$0x1830 ss:$0x81] =	vst.msk $0xffff, v5;
	v4 =	vld [tilespmem:s20+$0x30]  }
.LBB1_3:
0x3c: {  	p1 =	sne.s32 s22, $0x1FC;
	v5 =	vld [tilespmem:s20+$0xFFFFFFD0];
	[tilespmem:s19+$0x2040 ss:$0x81] =	vst.msk $0xffff, v1  }
0x3d: {  	v6 =	vld [tilespmem:s20+$0xFFFFFFE0];
	[tilespmem:s19+$0x2850 ss:$0x81] =	vst.msk $0xffff, v2  }
0x3e: {  	s23 =	sshra.s32 s21, $0x2;
	s21 =	smov.u32 s22;
	v7 =	vld [tilespmem:s20+$0xFFFFFFF0];
	[tilespmem:s19+$0x3060 ss:$0x81] =	vst.msk $0xffff, v3  }
.Ltmp3:
0x3f: {  	v1 =	vld [tilespmem:s20+$0x0];
	[tilespmem:s19+$0x0 ss:$0x81] =	vst.msk $0xffff, v0;
	s19 =	sadd.s32 s23, s18;
	(pc) =	sbr.rel @p1 .LBB1_3-.Ltmp3, $4  }
0x40: {  	v2 =	vld [tilespmem:s20+$0x10];
	[tilespmem:s19+$0x3870 ss:$0x81] =	vst.msk $0xffff, v4  }
0x41: {  	[tilespmem:s19+$0x810 ss:$0x81] =	vst.msk $0xffff, v5;
	v3 =	vld [tilespmem:s20+$0x20]  }
0x42: {  	v0 =	vld [tilespmem:s20+$0xFFFFFFC0];
	[tilespmem:s19+$0x1020 ss:$0x81] =	vst.msk $0xffff, v6;
	s20 =	sadd.s32 $0x80, s20  }
0x43: {  	s22 =	sadd.s32 $0x4, s22;
	v4 =	vld [tilespmem:s20+$0x30];
	[tilespmem:s19+$0x1830 ss:$0x81] =	vst.msk $0xffff, v7  }
.Ltmp4:
0x44: {  	_ = 	snop;
	(pc) =	sbr.rel .LBB1_4-.Ltmp4, $1  }
0x45: {  	_ =	sdelay $0x3  }
.LBB1_6:
0x46: {  	_ =	sfence.sel $0x180000  }
0x47: {  	s2 =	simm.s32 $0x1;
	[bflag:$0x0] =	sbarrier.arrive $0xFFFF  }
0x48: {  	s31 =	simm.s32 $0x2;
	[sflag:s2] =	ssyncpa.u1 $0x1  }
0x49: {  	[sflag:s31] =	ssyncpa.u1 $0x1  }
0x4a: {  	p0 =	sne.s32 s1, $0x0;
	_ =	strace $0x90000047  }
0x4b: {  	s0 =	sadd.s32 @!p0 $0x100000, s0;
	[bflag:$0x2] =	sbarrier.arrive $0xFFFF  }
0x4c: {  	[sflag:s0] =	ssyncadd.tile.s32 @!p0 $0x1;
	_ =	shalt  }
.Lfunc_end1:
_tile_overlayer_lowered:
.L_overlay_start_2:
0x4d: {  	(tag) =	ssettag $0x2  }
0x4e: {  	s0 =	rddreg [dreg:$0x0];
	s2 =	stileid.u32  }
0x4f: {  	s1 =	rddreg [dreg:$0x1];
	p0 =	sne.s32 s2, $0x0  }
0x50: {  	s3 =	rddreg [dreg:$0x2];
	[bflag:$0x3] =	sbarrier.arrive $0xFFFF;
	s2 =	simm.s32 @!p0 $0x1C01  }
0x51: {  	[timem:s3], [sflag:s2] =	dma.local @!p0 [hbm:s0], s1  }
0x52: {  	s0 =	simm.s32 @!p0 $0x1  }
0x53: {  	_ =	swait.ge @!p0 [sflag:s0], s1  }
0x54: {  	s1 =	ssub.s32 @!p0 $0x0, s1;
	[sflag:s0] =	ssyncset.done @!p0 $0x0  }
0x55: {  	[sflag:s0] =	ssyncadd.s32 @!p0 s1  }
0x56: {  	[bflag:$0x3] =	sbarrier.arrive $0xFFFF  }
0x57: {  	_ =	shalt  }

// kernel: sparse-core-data-format-call.cloned.1.call-start
scs
called_computation_lowered:
.L_overlay_start_0:
0x0: {  	s2 =	sld [smem:$0x3FD9]  }
0x1: {  	s3 =	sld [smem:$0x3FFE];
	_ =	sdelay $0x1  }
0x2: {  	s1 =	srdreg.scid  }
0x3: {  	s0 =	sand.u32 $0x1, s1  }
0x4: {  	s16 =	sshll.u32 s0, $0xA;
	s2 =	sadd.s32 s3, s2  }
0x5: {  	s2 =	sadd.s32 s2, s16  }
0x6: {  	[smem:$0x3FAF] =	sst s2  }
0x7: {  	_ = 	snop  }
0x8: {  	s2 =	sld [smem:$0x3FD0];
	_ =	sdelay $0x2  }
0x9: {  	s17 =	simm.s32 $0xB;
	s4 =	simm.s32 $0x10  }
0xa: {  	[smem:s4], [sflag:s17] =	dma.local [hbm:s2], $0x1  }
0xb: {  	_ =	swait.eq [sflag:s17], $0x1  }
0xc: {  	[sflag:s17] =	ssyncset.done $0x0  }
0xd: {  	[sflag:s17] =	ssyncadd.s32 $0xFFFFFFFF  }
0xe: {  	s18 =	sld [smem:$0x13];
	(tm) =	ssettm $0x1  }
0xf: {  	s19 =	sld [smem:$0x3FFB];
	_ =	sdelay $0x3  }
0x10: {  	_ =	strace s19  }
0x11: {  	s2 =	sld [smem:$0x3FFC];
	_ =	sdelay $0x3  }
0x12: {  	_ =	strace s2  }
0x13: {  	s2 =	sld [smem:$0x3FFD];
	_ =	sdelay $0x3  }
0x14: {  	_ =	strace s2  }
0x15: {  	_ =	strace $0x8FFFFFFF  }
0x16: {  	s20 =	sld [smem:$0x3FDB];
	_ =	sdelay $0x1  }
0x17: {  	s21 =	simm.s32 $_scs_section_size  }
0x18: {  	s5 =	simm.s32 $_size__tile_overlayer_lowered;
	s6 =	simm.s32 $_tile_overlayer_lowered  }
0x19: {  	s7 =	simm.s32 $0x1BFF;
	s22 =	sshll.u32 s6, $0x1;
	s4 =	sadd.s32 s21, s20  }
0x1a: {  	s23 =	simm.s32 $0x0;
	s5 =	sshll.u32 s5, $0x1;
	s6 =	sadd.s32 s22, s4  }
0x1b: {  	[timem:s23], [sflag:s7] =	dma.local [hbm:s6], s5  }
0x1c: {  	_ =	swait.ge [sflag:s7], s5  }
0x1d: {  	s5 =	ssub.s32 $0x0, s5;
	[sflag:s7] =	ssyncset.done $0x0  }
0x1e: {  	[sflag:s7] =	ssyncadd.s32 s5;
	_ =	sdelay $0x1  }
0x1f: {  	s24 =	simm.s32 $0x1B8B  }
0x20: {  	_ =	swait.ge [sflag:s24], $0x1  }
0x21: {  	[sflag:s24] =	ssyncset.done $0x0  }
0x22: {  	[sflag:s24] =	ssyncadd.s32 $0xFFFFFFFF  }
0x23: {  	s5 =	sld [smem:$0x0]  }
0x24: {  	s6 =	sand.u32 $0xFFFFFFFE, s1  }
0x25: {  	p0 =	sne.s32 s1, s6  }
0x26: {  	s6 =	sshll.u32 @p0 s6, $0xE  }
0x27: {  	s6 =	sadd.s32 @p0 $0x11B8D, s6;
	s7 =	sshll.u32 @p0 s5, $0x11  }
0x28: {  	s6 =	sor.u32 @p0 s7, s6  }
0x29: {  	[sflag:s6] =	ssyncadd.remote.s32 @p0 $0x1;
	_ =	sdelay $0x1  }
0x2a: {  	s6 =	simm.s32 @p0 $0x1B8D  }
0x2b: {  	_ =	swait.eq @p0 [sflag:s6], $0x1  }
0x2c: {  	[sflag:s6] =	ssyncadd.s32 @p0 $0xFFFFFFFF  }
0x2d: {  	s7 =	sshll.u32 @!p0 s1, $0xE  }
0x2e: {  	s7 =	sor.u32 @!p0 $0x4000, s7;
	s6 =	simm.s32 @!p0 $0x1B8D  }
0x2f: {  	s5 =	sshll.u32 @!p0 s5, $0x11;
	s7 =	sadd.s32 @!p0 $0x11B8D, s7;
	_ =	swait.eq @!p0 [sflag:s6], $0x1  }
0x30: {  	s5 =	sor.u32 @!p0 s5, s7;
	[sflag:s6] =	ssyncadd.s32 @!p0 $0xFFFFFFFF  }
0x31: {  	s26 =	simm.s32 $0x1B8E;
	s25 =	sld [smem:$0x3FFE];
	[sflag:s5] =	ssyncadd.remote.s32 @!p0 $0x1  }
0x32: {  	s27 =	simm.s32 $execute0_lowered;
	[smem:$0x3FD2] =	sst s26  }
0x33: {  	s6 =	sshll.u32 s27, $0x1;
	_ =	strace $0x80000049;
	[dreg:$0x1] =	wrdreg $0xFFFFFFFF  }
0x34: {  	s28 =	simm.s32 $_size_execute0_lowered;
	s4 =	sadd.s32 s4, s6;
	[dreg:$0x0] =	wrdreg $0x0  }
0x35: {  	s6 =	sshll.u32 s28, $0x1;
	[dreg:$0x2] =	wrdreg s4  }
0x36: {  	[dreg:$0x3] =	wrdreg s6  }
0x37: {  	[dreg:$0x4] =	wrdreg $0xC0  }
0x38: {  	_ =	task [dreg:s23], $0x5FFFF  }
0x39: {  	[dreg:$0x1] =	wrdreg $0xFFFFFFFF  }
0x3a: {  	[dreg:$0x0] =	wrdreg $0x60  }
0x3b: {  	[dreg:$0x2] =	wrdreg s25  }
0x3c: {  	[dreg:$0x3] =	wrdreg s18  }
0x3d: {  	[dreg:$0x4] =	wrdreg $0x9  }
0x3e: {  	_ =	task.clear_ibuf [dreg:s23], $0x5FFFF;
	_ =	strace $0x90000049  }
0x3f: {  	s29 =	simm.s32 $0x9;
	_ =	strace $0x8000004B  }
0x40: {  	_ =	swait.ge [sflag:s29], $0x1  }
0x41: {  	[sflag:s29] =	ssyncadd.s32 $0xFFFFFFFF  }
0x42: {  	_ =	strace $0x9000004B  }
0x43: {  	_ =	sfence  }
0x44: {  	s30 =	sld [smem:$0x0];
	_ =	sdelay $0x2  }
0x45: {  	s31 =	sshll.u32 s1, $0xD;
	s1 =	sshrl.u32 s1, $0x2  }
0x46: {  	s4 =	sand.u32 $0x4000, s31;
	s1 =	sadd.s32 s1, s30  }
0x47: {  	s0 =	sor.u32 s4, s0;
	s1 =	sshll.u32 s1, $0x11  }
0x48: {  	s0 =	sor.u32 s1, s0  }
0x49: {  	s0 =	sadd.s32 $0x8F2B, s0  }
0x4a: {  	[sflag:s0] =	ssyncadd.remote.s32 $0x1  }
0x4b: {  	_ =	sfence.sel $0xFFFF  }
0x4c: {  	[dreg:$0x0] =	wrdreg $0xFFFFFFFF;
	(pc) =	sbr.abs _section_cstart, $3  }
0x4d: {  	[dreg:$0x1] =	wrdreg $0xFFFFFFFF  }
0x4e: {  	_ =	task.clear_ibuf [dreg:s23], $0x2FFFF;
	_ =	strace $0x9FFFFFFF  }
0x4f: {  	(tm) =	ssettm $0x7FFFFFFF  }
tec
execute0_lowered:
.L_overlay_start_1:
0x0: {  	(tag) =	ssettag $0x1  }
0x1: {  	s4 =	rddreg [dreg:$0x0]  }
0x2: {  	s0 =	stileid.u32;
	s2 =	rddreg [dreg:$0x1]  }
0x3: {  	s7 =	srdreg.scid;
	s31 =	simm.s32 $0x2;
	s17 =	simm.s32 $0x0  }
0x4: {  	s9 =	simm.s32 $0x2000;
	s19 =	simm.s32 $0x0;
	s18 =	simm.s32 $0x0  }
0x5: {  	s10 =	simm.s32 $0x0;
	s11 =	simm.s32 $0x0;
	s1 =	sshll.u32 s0, $0x7  }
0x6: {  	s12 =	simm.s32 $0x0;
	s14 =	simm.s32 $0x0;
	s3 =	sand.u32 $0x380, s1  }
0x7: {  	s16 =	simm.s32 $0x0;
	s4 =	sadd.s32 $0x7B1400, s4;
	s5 =	ssub.s32 $0x400, s3  }
0x8: {  	s8 =	sshll.u32 s0, $0x4;
	s7 =	sshll.u32 s7, $0x8;
	s6 =	sand.u32 $0x380, s5  }
0x9: {  	s1 =	rddreg [dreg:$0x2];
	p0 =	sne.s32 s6, $0x0;
	s6 =	simm.s32 $0x1  }
.Ltmp0:
0xa: {  	s5 =	sshrl.u32 s5, $0xA;
	s6 =	simm.s32 @!p0 $0x0;
	(pc) =	sbr.rel .LBB1_1-.Ltmp0, $4  }
0xb: {  	_ =	strace $0x8000004A;
	s7 =	sor.u32 s8, s7;
	s6 =	sadd.s32 s6, s5  }
0xc: {  	s7 =	sand.u32 $0x180, s7;
	s5 =	simm.s32 $0x1;
	s6 =	smul.u32 $0x62, s6  }
0xd: {  	s15 =	smov.u32 s3;
	s13 =	smov.u32 s7;
	[sflag:s5] =	ssyncpa.u1 $0x0  }
0xe: {  	p0 =	por $0x0, $0x0;
	[sflag:s31] =	ssyncpa.u1 $0x0;
	s8 =	sor.u32 $0x1, s6  }
.LBB1_4:
0xf: {  	s25 =	sshll.u32 s10, $0xA;
	s24 =	sshra.s32 s24, $0x2;
	s26 =	sshll.u32 s12, $0x3  }
0x10: {  	p1 =	sgt.s32 s11, $0x30;
	s27 =	smov.u32 s11;
	s28 =	sshra.s32 s11, $0x1F  }
0x11: {  	p2 =	sgt.s32 s12, $0x380;
	s31 =	sshra.s32 s12, $0x1F;
	s25 =	sand.u32 $0xFFFFE000, s25  }
0x12: {  	s26 =	sand.u32 $0xFFFFFC00, s26;
	s27 =	simm.s32 @!p1 $0x30;
	s28 =	sand.u32 s28, s11  }
0x13: {  	[tilespmem:s22+$0x2040 ss:$0x81] =	vst.msk $0xffff, v4;
	s23 =	sadd.s32 s24, s23;
	s29 =	sadd.s32 s26, s25;
	s25 =	ssub.s32 s27, s28  }
0x14: {  	[tilespmem:s22+$0x2850 ss:$0x81] =	vst.msk $0xffff, v3;
	s27 =	smov.u32 s12;
	s28 =	smov.u32 s10;
	s26 =	sand.u32 s31, s12  }
0x15: {  	[tilespmem:s22+$0x3060 ss:$0x81] =	vst.msk $0xffff, v2;
	s24 =	sshrl.u32 s29, $0xA;
	s30 =	sadd.s32 $0xFFFFFFD0, s25;
	s27 =	simm.s32 @!p2 $0x380  }
0x16: {  	v5 =	vld [tilespmem:s21+$0xFFFFFFD0];
	[tilespmem:s22+$0x0 ss:$0x81] =	vst.msk $0xffff, v1;
	p2 =	sgt.s32 s10, $0x368;
	s29 =	sshra.s32 s10, $0x1F;
	s22 =	ssub.s32 $0x31, s25  }
0x17: {  	v58 =	vld [tilespmem:s21+$0xFFFFFFE0];
	p1 =	sgt.s32 s30, $0x0;
	s28 =	simm.s32 @!p2 $0x368;
	s29 =	sand.u32 s29, s10  }
0x18: {  	v59 =	vld [tilespmem:s21+$0xFFFFFFF0];
	s26 =	ssub.s32 s27, s26;
	s27 =	smulhi.u32 $0x418938, s24;
	s28 =	ssub.s32 s28, s29  }
0x19: {  	v60 =	vld [tilespmem:s21+$0x0];
	s30 =	sadd.s32 $0xFFFFFC80, s26;
	s25 =	ssub.s32 $0x400, s26;
	s22 =	simm.s32 @p1 $0x0  }
0x1a: {  	v61 =	vld [tilespmem:s21+$0x10];
	[tilespmem:s23+$0x3870 ss:$0x81] =	vst.msk $0xffff, v0;
	s29 =	sand.u32 $0x78, s12;
	p2 =	sgt.s32 s30, $0x7F;
	s31 =	sadd.s32 $0xFFFFFC98, s28  }
0x1b: {  	v62 =	vld [tilespmem:s21+$0x20];
	[tilespmem:s23+$0x810 ss:$0x81] =	vst.msk $0xffff, v5;
	s27 =	smul.u32 $0x3E8, s27;
	s30 =	sshll.u32 s10, $0x7;
	s28 =	ssub.s32 $0x3E8, s28  }
0x1c: {  	v63 =	vld [tilespmem:s21+$0xFFFFFFC0];
	[tilespmem:s23+$0x1020 ss:$0x81] =	vst.msk $0xffff, v58;
	s25 =	simm.s32 @p2 $0x0;
	p1 =	sgt.s32 s31, $0x7F;
	s31 =	smul.u32 $0x1F400, s11  }
0x1d: {  	[tilespmem:s23+$0x1830 ss:$0x81] =	vst.msk $0xffff, v59;
	s21 =	sand.u32 $0x380, s30;
	s22 =	smul.u32 s25, s22;
	s28 =	simm.s32 @p1 $0x0  }
0x1e: {  	[tilespmem:s23+$0x2040 ss:$0x81] =	vst.msk $0xffff, v60;
	s21 =	sor.u32 s29, s21;
	s24 =	ssub.s32 s24, s27;
	s29 =	sand.u32 $0x7, s12  }
0x1f: {  	[tilespmem:s23+$0x2850 ss:$0x81] =	vst.msk $0xffff, v61;
	s21 =	sshrl.u32 s21, $0x3;
	s25 =	sadd.s32 s2, s31;
	s22 =	smul.u32 s28, s22  }
0x20: {  	[tilespmem:s23+$0x3060 ss:$0x81] =	vst.msk $0xffff, v62;
	s24 =	sshll.u32 s24, $0x7;
	s30 =	sshll.u32 s29, $0x12;
	s21 =	sadd.s32 s21, s25  }
0x21: {  	[tilespmem:s23+$0x0 ss:$0x81] =	vst.msk $0xffff, v63;
	s31 =	sor.u32 $0x400, s30;
	s21 =	sadd.s32 s24, s21;
	s22 =	sand.u32 $0x3FFFFFFF, s22  }
0x22: {  	[hbm4b:s21+s31] =	stream.strided.scatter [tilespmem:s20], [sflag:$0x2], s22, s9, s31, $0x20;
	[tilespmem:$0x10100] =	vst v63  }
.LBB1_5:
0x23: {  	p1 =	slt.u32 s16, $0x2  }
0x24: {  	p2 =	sgt.s32 @!p1 s19, $0x30  }
0x25: {  	s20 =	smov.u32 s19;
	s21 =	sshra.s32 @!p1 s19, $0x1F;
	p2 =	por !p2, p1  }
0x26: {  	s19 =	sand.u32 @!p1 s21, s19;
	s20 =	simm.s32 @p2 $0x30  }
0x27: {  	p3 =	sgt.s32 @!p1 s17, $0x368;
	s19 =	ssub.s32 @!p1 s20, s19  }
0x28: {  	p4 =	sgt.s32 @!p1 s18, $0x380;
	s22 =	sshra.s32 @!p1 s18, $0x1F;
	s20 =	sadd.s32 @!p1 $0xFFFFFFD0, s19  }
0x29: {  	s21 =	smov.u32 s17;
	p2 =	sgt.s32 @!p1 s20, $0x0;
	s20 =	sshra.s32 @!p1 s17, $0x1F  }
0x2a: {  	p4 =	por !p4, p1;
	s17 =	sand.u32 @!p1 s20, s17;
	s20 =	smov.u32 s18  }
0x2b: {  	p3 =	por !p3, p1;
	s18 =	sand.u32 @!p1 s22, s18;
	s20 =	simm.s32 @p4 $0x380  }
0x2c: {  	s21 =	simm.s32 @p3 $0x368;
	s19 =	ssub.s32 @!p1 $0x31, s19;
	s18 =	ssub.s32 @!p1 s20, s18  }
0x2d: {  	p2 =	por !p2, p1;
	s17 =	ssub.s32 @!p1 s21, s17;
	s21 =	sadd.s32 @!p1 $0xFFFFFC80, s18  }
0x2e: {  	s19 =	simm.s32 @!p2 $0x0;
	p3 =	sgt.s32 @!p1 s21, $0x7F  }
0x2f: {  	s20 =	sadd.s32 @!p1 $0xFFFFFC98, s17;
	s18 =	ssub.s32 @!p1 $0x400, s18;
	p3 =	por !p3, p1  }
0x30: {  	p2 =	sgt.s32 @!p1 s20, $0x7F;
	s20 =	sadd.s32 $0x200, s13;
	s18 =	simm.s32 @!p3 $0x0  }
0x31: {  	p3 =	sgt.s32 s20, $0x3E7;
	s18 =	smul.u32 @!p1 s18, s19;
	s19 =	simm.s32 $0x1  }
0x32: {  	s17 =	ssub.s32 @!p1 $0x3E8, s17;
	p2 =	por !p2, p1;
	s19 =	simm.s32 @!p3 $0x0  }
0x33: {  	s22 =	smov.u32 s15;
	s17 =	simm.s32 @!p2 $0x0;
	s21 =	sadd.s32 s19, s14  }
0x34: {  	s17 =	smul.u32 @!p1 s17, s18;
	s18 =	sadd.s32 $0x400, s15;
	p2 =	sgt.s32 s21, $0x30  }
0x35: {  	p0 =	por !p0, !p0;
	s23 =	simm.s32 @!p1 $0x2;
	s22 =	smov.u32 @p2 s18  }
0x36: {  	s20 =	smov.u32 @p3 s7;
	s21 =	simm.s32 @p2 $0x0;
	p2 =	sgt.s32 s22, $0x3FF  }
0x37: {  	s19 =	smov.u32 s11;
	s22 =	smov.u32 @p2 s3;
	p2 =	sne.s32 s16, s8  }
.Ltmp1:
0x38: {  	s11 =	smov.u32 s14;
	s17 =	sand.u32 @!p1 $0x3FFFFFFF, s17;
	(pc) =	sbr.rel @!p2 .LBB1_6-.Ltmp1, $4  }
0x39: {  	s18 =	smov.u32 s12;
	s12 =	smov.u32 s15;
	_ =	swait.ge @!p1 [sflag:s23], s17  }
0x3a: {  	s24 =	ssub.s32 @!p1 $0x0, s17;
	s17 =	smov.u32 s10;
	s10 =	smov.u32 s13  }
0x3b: {  	s13 =	smov.u32 s20;
	s14 =	smov.u32 s21;
	[sflag:s23] =	ssyncset.done @!p1 $0x0  }
0x3c: {  	s16 =	sadd.s32 $0x1, s16;
	[sflag:s23] =	ssyncadd.s32 @!p1 s24;
	s15 =	smov.u32 s22  }
.LBB1_1:
0x3d: {  	p1 =	sge.u32 s16, s6  }
0x3e: {  	s20 =	sshll.u32 @!p1 s14, $0xA  }
0x3f: {  	s21 =	sshll.u32 @!p1 s13, $0x3;
	s20 =	sand.u32 @!p1 $0xFFFFE000, s20  }
0x40: {  	s20 =	sadd.s32 @!p1 s20, s21  }
0x41: {  	s20 =	sshrl.u32 @!p1 s20, $0xA  }
0x42: {  	s21 =	smulhi.u32 @!p1 $0x4924925, s20  }
0x43: {  	s22 =	sshll.u32 @!p1 s14, $0x7;
	s24 =	smul.u32 @!p1 $0x1C00, s15  }
0x44: {  	s23 =	sand.u32 @!p1 $0x78, s13;
	s22 =	sand.u32 @!p1 $0x380, s22;
	s21 =	smul.u32 @!p1 $0x38, s21  }
0x45: {  	s31 =	sadd.s32 $0xFFFFFFFF, s16;
	s22 =	sor.u32 @!p1 s23, s22;
	s23 =	sadd.s32 @!p1 s4, s24  }
0x46: {  	s22 =	sshrl.u32 @!p1 s22, $0x3;
	s20 =	ssub.s32 @!p1 s20, s21;
	s21 =	sxor.u32 @!p1 $0xFFFFFFFF, s16  }
0x47: {  	s22 =	sadd.s32 @!p1 s22, s23;
	s23 =	sand.u32 @!p1 $0x7, s13;
	s21 =	sshll.u32 @!p1 s21, $0xE  }
0x48: {  	s23 =	sshll.u32 @!p1 s23, $0x12;
	s20 =	sshll.u32 @!p1 s20, $0x7;
	s21 =	sand.u32 @!p1 $0x4000, s21  }
0x49: {  	s20 =	sadd.s32 @!p1 s20, s22;
	s22 =	sor.u32 @!p1 $0x80, s23;
	s23 =	simm.s32 @!p1 $0xE000  }
0x4a: {  	[tilespmem:s21], [sflag:$0x1] =	stream.strided.gather @!p1 [hbm4b:s20+s22], $0x4000, s23, s22, $0x38;
	[tilespmem:$0x10100] =	vst v63  }
0x4b: {  	p1 =	sge.u32 s31, s6  }
.Ltmp2:
0x4c: {  	_ = 	snop;
	(pc) =	sbr.rel @p1 .LBB1_5-.Ltmp2, $1  }
0x4d: {  	_ =	sdelay $0x3  }
0x4e: {  	s20 =	simm.s32 $0x1  }
0x4f: {  	_ =	swait.ge [sflag:s5], $0x4000;
	s20 =	simm.s32 @!p0 $0x0  }
0x50: {  	[sflag:s5] =	ssyncset.done $0x0;
	s21 =	sshll.u32 s20, $0xE  }
0x51: {  	[sflag:s5] =	ssyncadd.s32 $0xFFFFC000;
	s21 =	sor.u32 $0x40, s21  }
0x52: {  	s20 =	smul.u32 $0x10200, s20;
	v0 =	vld [tilespmem:s21+$0x30]  }
0x53: {  	v1 =	vld [tilespmem:s21+$0xFFFFFFD0]  }
0x54: {  	s20 =	sshrl.u32 s20, $0x2;
	v5 =	vld [tilespmem:s21+$0xFFFFFFE0]  }
0x55: {  	v6 =	vld [tilespmem:s21+$0xFFFFFFF0];
	s23 =	sor.u32 $0x8000, s20  }
0x56: {  	s31 =	sand.u32 $0x1, s16;
	v4 =	vld [tilespmem:s21+$0x0];
	s22 =	sadd.s32 $0x0, s23  }
0x57: {  	v3 =	vld [tilespmem:s21+$0x10];
	s20 =	smul.u32 $0x10200, s31;
	[tilespmem:s22+$0x3870 ss:$0x81] =	vst.msk $0xffff, v0  }
0x58: {  	v2 =	vld [tilespmem:s21+$0x20];
	[tilespmem:s22+$0x810 ss:$0x81] =	vst.msk $0xffff, v1  }
0x59: {  	s20 =	sshrl.u32 s20, $0x2;
	v1 =	vld [tilespmem:s21+$0xFFFFFFC0];
	[tilespmem:s22+$0x1020 ss:$0x81] =	vst.msk $0xffff, v5;
	s21 =	sadd.s32 $0x80, s21  }
0x5a: {  	s24 =	simm.s32 $0x4;
	s25 =	simm.s32 $0x8;
	s20 =	sor.u32 $0x8000, s20;
	[tilespmem:s22+$0x1830 ss:$0x81] =	vst.msk $0xffff, v6;
	v0 =	vld [tilespmem:s21+$0x30]  }
.LBB1_3:
0x5b: {  	p1 =	sne.s32 s25, $0x1FC;
	v5 =	vld [tilespmem:s21+$0xFFFFFFD0];
	[tilespmem:s22+$0x2040 ss:$0x81] =	vst.msk $0xffff, v4  }
0x5c: {  	v6 =	vld [tilespmem:s21+$0xFFFFFFE0];
	[tilespmem:s22+$0x2850 ss:$0x81] =	vst.msk $0xffff, v3  }
0x5d: {  	s26 =	sshra.s32 s24, $0x2;
	s24 =	smov.u32 s25;
	v7 =	vld [tilespmem:s21+$0xFFFFFFF0];
	[tilespmem:s22+$0x3060 ss:$0x81] =	vst.msk $0xffff, v2  }
.Ltmp3:
0x5e: {  	v4 =	vld [tilespmem:s21+$0x0];
	[tilespmem:s22+$0x0 ss:$0x81] =	vst.msk $0xffff, v1;
	s22 =	sadd.s32 s26, s23;
	(pc) =	sbr.rel @p1 .LBB1_3-.Ltmp3, $4  }
0x5f: {  	v3 =	vld [tilespmem:s21+$0x10];
	[tilespmem:s22+$0x3870 ss:$0x81] =	vst.msk $0xffff, v0  }
0x60: {  	[tilespmem:s22+$0x810 ss:$0x81] =	vst.msk $0xffff, v5;
	v2 =	vld [tilespmem:s21+$0x20]  }
0x61: {  	v1 =	vld [tilespmem:s21+$0xFFFFFFC0];
	[tilespmem:s22+$0x1020 ss:$0x81] =	vst.msk $0xffff, v6;
	s21 =	sadd.s32 $0x80, s21  }
0x62: {  	s25 =	sadd.s32 $0x4, s25;
	v0 =	vld [tilespmem:s21+$0x30];
	[tilespmem:s22+$0x1830 ss:$0x81] =	vst.msk $0xffff, v7  }
.Ltmp4:
0x63: {  	_ = 	snop;
	(pc) =	sbr.rel .LBB1_4-.Ltmp4, $1  }
0x64: {  	_ =	sdelay $0x3  }
.LBB1_6:
0x65: {  	_ =	sfence.sel $0x180000  }
0x66: {  	s2 =	simm.s32 $0x1;
	[bflag:$0x0] =	sbarrier.arrive $0xFFFF  }
0x67: {  	s31 =	simm.s32 $0x2;
	[sflag:s2] =	ssyncpa.u1 $0x1  }
0x68: {  	[sflag:s31] =	ssyncpa.u1 $0x1  }
0x69: {  	p0 =	sne.s32 s0, $0x0;
	_ =	strace $0x9000004A  }
0x6a: {  	s0 =	sadd.s32 @!p0 $0x100000, s1;
	[bflag:$0x2] =	sbarrier.arrive $0xFFFF  }
0x6b: {  	[sflag:s0] =	ssyncadd.tile.s32 @!p0 $0x1;
	_ =	shalt  }
.Lfunc_end1:
_tile_overlayer_lowered:
.L_overlay_start_2:
0x6c: {  	(tag) =	ssettag $0x2  }
0x6d: {  	s0 =	rddreg [dreg:$0x0];
	s2 =	stileid.u32  }
0x6e: {  	s1 =	rddreg [dreg:$0x1];
	p0 =	sne.s32 s2, $0x0  }
0x6f: {  	s3 =	rddreg [dreg:$0x2];
	[bflag:$0x3] =	sbarrier.arrive $0xFFFF;
	s2 =	simm.s32 @!p0 $0x1C01  }
0x70: {  	[timem:s3], [sflag:s2] =	dma.local @!p0 [hbm:s0], s1  }
0x71: {  	s0 =	simm.s32 @!p0 $0x1  }
0x72: {  	_ =	swait.ge @!p0 [sflag:s0], s1  }
0x73: {  	s1 =	ssub.s32 @!p0 $0x0, s1;
	[sflag:s0] =	ssyncset.done @!p0 $0x0  }
0x74: {  	[sflag:s0] =	ssyncadd.s32 @!p0 s1  }
0x75: {  	[bflag:$0x3] =	sbarrier.arrive $0xFFFF  }
0x76: {  	_ =	shalt  }

</sc_bundles>
